<compile_context>
chip_gen: v7x
topology: tpu7x:2x2x1
jax: 0.10.2.dev20260603
libtpu: 0.0.44.dev20260713+nightly
codegen_flags: <defaults>
</compile_context>

<pallas_src>
import functools

import jax
import jax.numpy as jnp
from jax import lax
from jax.experimental import pallas as pl
from jax.experimental.pallas import tpu as pltpu
from jax.experimental.pallas import tpu_sc as plsc

NUM_CODES = 8192
DIM = 32
N_TOKENS = 8192
MBLK = 1024
NBLK = 2048
M_CHUNKS = N_TOKENS // MBLK
N_CHUNKS = NUM_CODES // NBLK
COMMIT = 0.25
LOSS_SCALE = (1.0 + COMMIT) / (N_TOKENS * DIM)


def _vq_body(x_ref, e_ref, eblk_ref, idx_ref, loss_ref, et_ref):
    m = pl.program_id(0)
    et_ref[...] = jnp.transpose(eblk_ref[...], (1, 0))
    x = x_ref[...]
    xm = x * (-2.0)
    x2 = jnp.sum(x * x, axis=1, keepdims=True)
    iif = lax.broadcasted_iota(jnp.int32, (1, NBLK), 1).astype(jnp.float32)

    bd = bi = bx = None
    for n in range(N_CHUNKS):
        e = e_ref[:, n * NBLK:(n + 1) * NBLK]
        e2 = jnp.sum(e * e, axis=0, keepdims=True)
        xe2 = jnp.dot(xm, e, preferred_element_type=jnp.float32)
        d = (x2 + xe2) + e2
        lmin = jnp.min(d, axis=1, keepdims=True)
        lminb = lmin.astype(jnp.bfloat16).astype(jnp.float32)
        lidxf = jnp.min(jnp.where(d == lmin, iif, jnp.float32(3e38)),
                        axis=1, keepdims=True)
        lidx = lidxf.astype(jnp.int32) + n * NBLK
        if n == 0:
            bd, bi, bx = lminb, lidx, lmin
        else:
            upd = lmin < bd
            bd = jnp.where(upd, lminb, bd)
            bi = jnp.where(upd, lidx, bi)
            bx = jnp.where(upd, lmin, bx)

    idx_ref[...] = bi

    @pl.when(m == 0)
    def _():
        loss_ref[...] = jnp.zeros_like(loss_ref)

    loss_ref[...] += (jnp.sum(bx) * LOSS_SCALE).reshape(1, 1)


_vq_call = pl.pallas_call(
    _vq_body,
    grid=(M_CHUNKS,),
    in_specs=[
        pl.BlockSpec((MBLK, DIM), lambda m: (m, 0)),
        pl.BlockSpec((DIM, NUM_CODES), lambda m: (0, 0)),
        pl.BlockSpec((DIM, MBLK), lambda m: (0, m)),
    ],
    out_specs=[
        pl.BlockSpec((MBLK, 1), lambda m: (m, 0)),
        pl.BlockSpec((1, 1), lambda m: (0, 0)),
        pl.BlockSpec((MBLK, DIM), lambda m: (m, 0)),
    ],
    out_shape=[
        jax.ShapeDtypeStruct((N_TOKENS, 1), jnp.int32),
        jax.ShapeDtypeStruct((1, 1), jnp.float32),
        jax.ShapeDtypeStruct((NUM_CODES, DIM), jnp.float32),
    ],
    compiler_params=pltpu.CompilerParams(
        dimension_semantics=("arbitrary",)),
)


_NC, _NS = 2, 16
_NW = _NC * _NS
_B_PER_W = N_TOKENS // _NW


@functools.cache
def _sc_gather_call():
    @functools.partial(
        pl.kernel,
        mesh=plsc.VectorSubcoreMesh(core_axis_name="c", subcore_axis_name="s"),
        out_type=jax.ShapeDtypeStruct((N_TOKENS, DIM), jnp.float32),
        scratch_types=[
            pltpu.VMEM((_B_PER_W,), jnp.int32),
            pltpu.VMEM((_B_PER_W, DIM), jnp.float32),
            pltpu.SemaphoreType.DMA,
        ],
        compiler_params=pltpu.CompilerParams(use_tc_tiling_on_sc=False),
    )
    def _sc_gather(table_hbm, idx_hbm, out_hbm, idx_v, rows_v, sem):
        wid = lax.axis_index("s") * _NC + lax.axis_index("c")
        base = wid * _B_PER_W
        pltpu.sync_copy(idx_hbm.at[pl.ds(base, _B_PER_W)], idx_v)
        pltpu.async_copy(table_hbm.at[idx_v], rows_v, sem).wait()
        pltpu.sync_copy(rows_v, out_hbm.at[pl.ds(base, _B_PER_W)])

    return _sc_gather


def kernel(inputs, embeddings):
    x = inputs.astype(jnp.float32).reshape(-1, DIM)
    idx2d, loss, table = _vq_call(x, embeddings, embeddings)
    idx = idx2d.reshape(N_TOKENS)
    q = _sc_gather_call()(table, idx)
    quantized = q.reshape(inputs.shape).astype(inputs.dtype)
    return quantized, idx.reshape(inputs.shape[:-1]), loss.reshape(())

# --- scband reference (transcript-rebuilt; emitter-appended) ---
"""Pipeline reference for scband-vector-quantizer-6038724018952 (READ-ONLY COPY).

The authoritative reference and input builder live on the scoring server;
editing this copy changes nothing except your own understanding.
"""

import jax, jax.numpy as jnp
import numpy as np

NUM_EMBEDDINGS = 8192
EMBEDDING_DIM = 32
COMMITMENT_COST = 0.25


def setup_inputs(seed: int = 0) -> dict:
    key = jax.random.key(seed)
    k1, k2 = jax.random.split(key)
    inputs = jax.random.normal(k1, (8, 1024, EMBEDDING_DIM), dtype=jnp.float32)
    # tf.random_uniform_initializer default: uniform in [-0.05, 0.05)
    embeddings = jax.random.uniform(k2, (EMBEDDING_DIM, NUM_EMBEDDINGS), dtype=jnp.float32, minval=-0.05, maxval=0.05)
    return {"inputs": inputs, "embeddings": embeddings}


def reference(inputs, embeddings):
    inputs_f32 = inputs.astype(jnp.float32)
    flat_inputs = inputs_f32.reshape(-1, EMBEDDING_DIM)
    distances = (jnp.sum(flat_inputs ** 2, axis=1, keepdims=True)
                 - 2.0 * (flat_inputs @ embeddings)
                 + jnp.sum(embeddings ** 2, axis=0, keepdims=True))
    encoding_indices = jnp.argmin(distances, axis=1)
    quantized_flat = jnp.take(embeddings.T, encoding_indices, axis=0)
    quantized_spatial = quantized_flat.reshape(inputs.shape)
    e_latent_loss = jnp.mean(jnp.square(jax.lax.stop_gradient(quantized_spatial) - inputs_f32))
    q_latent_loss = jnp.mean(jnp.square(quantized_spatial - jax.lax.stop_gradient(inputs_f32)))
    loss = q_latent_loss + COMMITMENT_COST * e_latent_loss
    ste_calculation_f32 = inputs_f32 + jax.lax.stop_gradient(quantized_spatial - inputs_f32)
    quantized_ste = ste_calculation_f32.astype(inputs.dtype)
    indices_spatial = encoding_indices.reshape(inputs.shape[:-1])
    return (quantized_ste, indices_spatial, loss)

if __name__ == "__main__":
    import jax
    _d = setup_inputs()
    print(jax.jit(kernel)(*tuple(_d.values())))

</pallas_src>

<mosaic_0001>
#map = affine_map<(d0, d1) -> (0, 0)>
#map1 = affine_map<(d0, d1) -> (0)>
module attributes {stable_mosaic.version = 14 : i64} {
  func.func @_sc_gather(%arg0: i32, %arg1: i32, %arg2: memref<8192x32xf32, #tpu.memory_space<hbm>>, %arg3: memref<8192xi32, #tpu.memory_space<hbm>>, %arg4: memref<8192x32xf32, #tpu.memory_space<hbm>>, %arg5: memref<256xi32, #tpu.memory_space<vmem>>, %arg6: memref<256x32xf32, #tpu.memory_space<vmem>>, %arg7: memref<!tpu.dma_semaphore, #tpu.memory_space<semaphore_mem>>) attributes {dimension_semantics = [#tpu.dimension_semantics<core_parallel>, #tpu.dimension_semantics<subcore_parallel>], iteration_bounds = array<i64: 2, 16>, scalar_prefetch = 0 : i64, scratch_operands = 3 : i64, tpu.core_type = #tpu.core_type<sc_vector_subcore>, window_params = [{transform_indices = #map}, {transform_indices = #map1}, {transform_indices = #map}]} {
    %mul3A = arith.constant 2 : i32
    %mul3A_0 = arith.muli %arg1, %mul3A : i32
    %add3A = arith.addi %mul3A_0, %arg0 : i32
    %mul3A_1 = arith.constant 256 : i32
    %mul3A_2 = arith.muli %add3A, %mul3A_1 : i32
    "tpu.region"() ({
      %run_scoped3A = tpu.sem_alloc : memref<!tpu.dma_semaphore, #tpu.memory_space<semaphore_mem>>
      %dma_start3A_7 = tpu.memref_slice %arg3[%mul3A_2] : memref<8192xi32, #tpu.memory_space<hbm>> -> memref<256xi32, #tpu.memory_space<hbm>>
      %dma_start3A_8 = tpu.memref_slice %arg3[%mul3A_2] : memref<8192xi32, #tpu.memory_space<hbm>> -> memref<256xi32, #tpu.memory_space<hbm>>
      tpu.enqueue_dma source(%dma_start3A_8 : memref<256xi32, #tpu.memory_space<hbm>>) target(%arg5 : memref<256xi32, #tpu.memory_space<vmem>>) target_semaphore(%run_scoped3A : memref<!tpu.dma_semaphore, #tpu.memory_space<semaphore_mem>>)
      %dma_wait3A_9 = tpu.memref_slice %arg3[%mul3A_2] : memref<8192xi32, #tpu.memory_space<hbm>> -> memref<256xi32, #tpu.memory_space<hbm>>
      %dma_wait3A_10 = tpu.memref_slice %arg3[%mul3A_2] : memref<8192xi32, #tpu.memory_space<hbm>> -> memref<256xi32, #tpu.memory_space<hbm>>
      tpu.wait_dma2 semaphore(%run_scoped3A : memref<!tpu.dma_semaphore, #tpu.memory_space<semaphore_mem>>) src(%dma_wait3A_10 : memref<256xi32, #tpu.memory_space<hbm>>) dst(%arg5 : memref<256xi32, #tpu.memory_space<vmem>>)
      tpu.yield
    }) : () -> ()
    %dma_start3A = arith.constant 0 : i32
    %dma_start3A_3 = arith.constant 0 : i32
    %dma_start3A_4 = tpu.memref_slice %arg2[%dma_start3A, %dma_start3A_3] : memref<8192x32xf32, #tpu.memory_space<hbm>> -> memref<8192x32xf32, #tpu.memory_space<hbm>>
    tpu.enqueue_indirect_dma source(%dma_start3A_4 : memref<8192x32xf32, #tpu.memory_space<hbm>>) target(%arg6 : memref<256x32xf32, #tpu.memory_space<vmem>>) offsets(%arg5 : memref<256xi32, #tpu.memory_space<vmem>>) semaphore(%arg7 : memref<!tpu.dma_semaphore, #tpu.memory_space<semaphore_mem>>)
    %dma_wait3A = arith.constant 0 : i32
    %dma_wait3A_5 = arith.constant 0 : i32
    %dma_wait3A_6 = tpu.memref_slice %arg2[%dma_wait3A, %dma_wait3A_5] : memref<8192x32xf32, #tpu.memory_space<hbm>> -> memref<8192x32xf32, #tpu.memory_space<hbm>>
    tpu.wait_indirect_dma semaphore(%arg7 : memref<!tpu.dma_semaphore, #tpu.memory_space<semaphore_mem>>) src(%dma_wait3A_6 : memref<8192x32xf32, #tpu.memory_space<hbm>>) dst(%arg6 : memref<256x32xf32, #tpu.memory_space<vmem>>)
    "tpu.region"() ({
      %run_scoped3A = tpu.sem_alloc : memref<!tpu.dma_semaphore, #tpu.memory_space<semaphore_mem>>
      %dma_start3A_7 = arith.constant 0 : i32
      %dma_start3A_8 = tpu.memref_slice %arg4[%mul3A_2, %dma_start3A_7] : memref<8192x32xf32, #tpu.memory_space<hbm>> -> memref<256x32xf32, #tpu.memory_space<hbm>>
      %dma_start3A_9 = arith.constant 0 : i32
      %dma_start3A_10 = tpu.memref_slice %arg4[%mul3A_2, %dma_start3A_9] : memref<8192x32xf32, #tpu.memory_space<hbm>> -> memref<256x32xf32, #tpu.memory_space<hbm>>
      tpu.enqueue_dma source(%arg6 : memref<256x32xf32, #tpu.memory_space<vmem>>) target(%dma_start3A_10 : memref<256x32xf32, #tpu.memory_space<hbm>>) target_semaphore(%run_scoped3A : memref<!tpu.dma_semaphore, #tpu.memory_space<semaphore_mem>>)
      %dma_wait3A_11 = arith.constant 0 : i32
      %dma_wait3A_12 = tpu.memref_slice %arg4[%mul3A_2, %dma_wait3A_11] : memref<8192x32xf32, #tpu.memory_space<hbm>> -> memref<256x32xf32, #tpu.memory_space<hbm>>
      %dma_wait3A_13 = arith.constant 0 : i32
      %dma_wait3A_14 = tpu.memref_slice %arg4[%mul3A_2, %dma_wait3A_13] : memref<8192x32xf32, #tpu.memory_space<hbm>> -> memref<256x32xf32, #tpu.memory_space<hbm>>
      tpu.wait_dma2 semaphore(%run_scoped3A : memref<!tpu.dma_semaphore, #tpu.memory_space<semaphore_mem>>) src(%arg6 : memref<256x32xf32, #tpu.memory_space<vmem>>) dst(%dma_wait3A_14 : memref<256x32xf32, #tpu.memory_space<hbm>>)
      tpu.yield
    }) : () -> ()
    return
  }
}

module attributes {stable_mosaic.version = 14 : i64} {
  func.func @_vq_body(%arg0: i32, %arg1: memref<1024x32xf32, #tpu.memory_space<vmem>>, %arg2: memref<32x8192xf32, #tpu.memory_space<vmem>>, %arg3: memref<32x1024xf32, #tpu.memory_space<vmem>>, %arg4: memref<1024x1xi32, #tpu.memory_space<vmem>>, %arg5: memref<1x1xf32, #tpu.memory_space<vmem>>, %arg6: memref<1024x32xf32, #tpu.memory_space<vmem>>) attributes {dimension_semantics = [#tpu.dimension_semantics<arbitrary>], iteration_bounds = array<i64: 8>, scalar_prefetch = 0 : i64, scratch_operands = 0 : i64, tpu.core_type = #tpu.core_type<tc>, window_params = [{transform_indices = @transform_0, window_bounds = array<i64: 1024, 32>}, {pipeline_mode = #tpu.pipeline_mode<synchronous>, transform_indices = @transform_1, window_bounds = array<i64: 32, 8192>}, {transform_indices = @transform_2, window_bounds = array<i64: 32, 1024>}, {transform_indices = @transform_3, window_bounds = array<i64: 1024, 1>}, {pipeline_mode = #tpu.pipeline_mode<synchronous>, transform_indices = @transform_4, window_bounds = array<i64: 1, 1>}, {transform_indices = @transform_5, window_bounds = array<i64: 1024, 32>}]} {
    %get3A = arith.constant 0 : index
    %get3A_0 = arith.constant 0 : index
    %get3A_1 = vector.load %arg3[%get3A, %get3A_0] : memref<32x1024xf32, #tpu.memory_space<vmem>>, vector<32x1024xf32>
    %transpose3A = tpu.transpose %get3A_1, [1, 0] : vector<32x1024xf32> -> vector<1024x32xf32>
    %swap3A = arith.constant 0 : index
    %swap3A_2 = arith.constant 0 : index
    %swap3A_3 = vector.load %arg6[%swap3A, %swap3A_2] : memref<1024x32xf32, #tpu.memory_space<vmem>>, vector<1024x32xf32>
    tpu.vector_store %arg6[%swap3A, %swap3A_2], %transpose3A {strides = array<i32>} : memref<1024x32xf32, #tpu.memory_space<vmem>>, vector<1024x32xf32>,
    %get3A_4 = arith.constant 0 : index
    %get3A_5 = arith.constant 0 : index
    %get3A_6 = vector.load %arg1[%get3A_4, %get3A_5] : memref<1024x32xf32, #tpu.memory_space<vmem>>, vector<1024x32xf32>
    %mul3A = arith.constant -2.000000e+00 : f32
    %mul3A_7 = vector.broadcast %mul3A : f32 to vector<1024x32xf32>
    %mul3A_8 = arith.mulf %get3A_6, %mul3A_7 : vector<1024x32xf32>
    %mul3A_9 = arith.mulf %get3A_6, %get3A_6 : vector<1024x32xf32>
    %reduce_sum3A = arith.constant dense<0.000000e+00> : vector<1024xf32>
    %reduce_sum3A_10 = vector.multi_reduction <add>, %mul3A_9, %reduce_sum3A [1] : vector<1024x32xf32> to vector<1024xf32>
    %broadcast_in_dim3A = vector.shape_cast %reduce_sum3A_10 : vector<1024xf32> to vector<1024x1xf32>
    %iota3A = tpu.iota {dimensions = array<i32: 1>} : vector<1x2048xi32>
    %convert_element_type3A = arith.sitofp %iota3A : vector<1x2048xi32> to vector<1x2048xf32>
    %get3A_11 = arith.constant 0 : index
    %get3A_12 = arith.constant 0 : index
    %get3A_13 = vector.load %arg2[%get3A_11, %get3A_12] : memref<32x8192xf32, #tpu.memory_space<vmem>>, vector<32x2048xf32>
    %mul3A_14 = arith.mulf %get3A_13, %get3A_13 : vector<32x2048xf32>
    %reduce_sum3A_15 = arith.constant dense<0.000000e+00> : vector<2048xf32>
    %reduce_sum3A_16 = vector.multi_reduction <add>, %mul3A_14, %reduce_sum3A_15 [0] : vector<32x2048xf32> to vector<2048xf32>
    %broadcast_in_dim3A_17 = vector.shape_cast %reduce_sum3A_16 : vector<2048xf32> to vector<1x2048xf32>
    %dot_general3A = arith.constant dense<0.000000e+00> : vector<1024x2048xf32>
    %dot_general3A_18 = tpu.matmul %mul3A_8, %get3A_13, %dot_general3A {dimension_numbers = #tpu.dot_dimension_numbers<[1], [0], [0], [1], [0, 0, 1, 1], [], []>, transpose_lhs_hint = false} : vector<1024x32xf32>, vector<32x2048xf32>, vector<1024x2048xf32> -> vector<1024x2048xf32>
    %add3A = vector.broadcast %broadcast_in_dim3A : vector<1024x1xf32> to vector<1024x2048xf32>
    %add3A_19 = arith.addf %add3A, %dot_general3A_18 : vector<1024x2048xf32>
    %add3A_20 = vector.broadcast %broadcast_in_dim3A_17 : vector<1x2048xf32> to vector<1024x2048xf32>
    %add3A_21 = arith.addf %add3A_19, %add3A_20 : vector<1024x2048xf32>
    %reduce_min3A = arith.constant dense<0x7F800000> : vector<1024xf32>
    %reduce_min3A_22 = vector.multi_reduction <minimumf>, %add3A_21, %reduce_min3A [1] : vector<1024x2048xf32> to vector<1024xf32>
    %broadcast_in_dim3A_23 = vector.shape_cast %reduce_min3A_22 : vector<1024xf32> to vector<1024x1xf32>
    %convert_element_type3A_24 = arith.truncf %broadcast_in_dim3A_23 : vector<1024x1xf32> to vector<1024x1xbf16>
    %convert_element_type3A_25 = arith.extf %convert_element_type3A_24 : vector<1024x1xbf16> to vector<1024x1xf32>
    %eq3A = vector.broadcast %broadcast_in_dim3A_23 : vector<1024x1xf32> to vector<1024x2048xf32>
    %eq3A_26 = arith.cmpf oeq, %add3A_21, %eq3A : vector<1024x2048xf32>
    %jit3A = arith.constant 3.000000e+38 : f32
    %broadcast_in_dim3A_27 = vector.shape_cast %convert_element_type3A : vector<1x2048xf32> to vector<1x2048xf32>
    %broadcast_in_dim3A_28 = vector.broadcast %broadcast_in_dim3A_27 : vector<1x2048xf32> to vector<1024x2048xf32>
    %broadcast_in_dim3A_29 = vector.broadcast %jit3A : f32 to vector<1024x2048xf32>
    %select_n3A = arith.select %eq3A_26, %broadcast_in_dim3A_28, %broadcast_in_dim3A_29 : vector<1024x2048xi1>, vector<1024x2048xf32>
    %reduce_min3A_30 = arith.constant dense<0x7F800000> : vector<1024xf32>
    %reduce_min3A_31 = vector.multi_reduction <minimumf>, %select_n3A, %reduce_min3A_30 [1] : vector<1024x2048xf32> to vector<1024xf32>
    %broadcast_in_dim3A_32 = vector.shape_cast %reduce_min3A_31 : vector<1024xf32> to vector<1024x1xf32>
    %convert_element_type3A_33 = arith.fptosi %broadcast_in_dim3A_32 : vector<1024x1xf32> to vector<1024x1xi32>
    %add3A_34 = arith.constant 0 : i32
    %add3A_35 = vector.broadcast %add3A_34 : i32 to vector<1024x1xi32>
    %add3A_36 = arith.addi %convert_element_type3A_33, %add3A_35 : vector<1024x1xi32>
    %get3A_37 = arith.constant 0 : index
    %get3A_38 = arith.constant 2048 : index
    %get3A_39 = vector.load %arg2[%get3A_37, %get3A_38] : memref<32x8192xf32, #tpu.memory_space<vmem>>, vector<32x2048xf32>
    %mul3A_40 = arith.mulf %get3A_39, %get3A_39 : vector<32x2048xf32>
    %reduce_sum3A_41 = arith.constant dense<0.000000e+00> : vector<2048xf32>
    %reduce_sum3A_42 = vector.multi_reduction <add>, %mul3A_40, %reduce_sum3A_41 [0] : vector<32x2048xf32> to vector<2048xf32>
    %broadcast_in_dim3A_43 = vector.shape_cast %reduce_sum3A_42 : vector<2048xf32> to vector<1x2048xf32>
    %dot_general3A_44 = arith.constant dense<0.000000e+00> : vector<1024x2048xf32>
    %dot_general3A_45 = tpu.matmul %mul3A_8, %get3A_39, %dot_general3A_44 {dimension_numbers = #tpu.dot_dimension_numbers<[1], [0], [0], [1], [0, 0, 1, 1], [], []>, transpose_lhs_hint = false} : vector<1024x32xf32>, vector<32x2048xf32>, vector<1024x2048xf32> -> vector<1024x2048xf32>
    %add3A_46 = vector.broadcast %broadcast_in_dim3A : vector<1024x1xf32> to vector<1024x2048xf32>
    %add3A_47 = arith.addf %add3A_46, %dot_general3A_45 : vector<1024x2048xf32>
    %add3A_48 = vector.broadcast %broadcast_in_dim3A_43 : vector<1x2048xf32> to vector<1024x2048xf32>
    %add3A_49 = arith.addf %add3A_47, %add3A_48 : vector<1024x2048xf32>
    %reduce_min3A_50 = arith.constant dense<0x7F800000> : vector<1024xf32>
    %reduce_min3A_51 = vector.multi_reduction <minimumf>, %add3A_49, %reduce_min3A_50 [1] : vector<1024x2048xf32> to vector<1024xf32>
    %broadcast_in_dim3A_52 = vector.shape_cast %reduce_min3A_51 : vector<1024xf32> to vector<1024x1xf32>
    %convert_element_type3A_53 = arith.truncf %broadcast_in_dim3A_52 : vector<1024x1xf32> to vector<1024x1xbf16>
    %convert_element_type3A_54 = arith.extf %convert_element_type3A_53 : vector<1024x1xbf16> to vector<1024x1xf32>
    %eq3A_55 = vector.broadcast %broadcast_in_dim3A_52 : vector<1024x1xf32> to vector<1024x2048xf32>
    %eq3A_56 = arith.cmpf oeq, %add3A_49, %eq3A_55 : vector<1024x2048xf32>
    %jit3A_57 = arith.constant 3.000000e+38 : f32
    %broadcast_in_dim3A_58 = vector.shape_cast %convert_element_type3A : vector<1x2048xf32> to vector<1x2048xf32>
    %broadcast_in_dim3A_59 = vector.broadcast %broadcast_in_dim3A_58 : vector<1x2048xf32> to vector<1024x2048xf32>
    %broadcast_in_dim3A_60 = vector.broadcast %jit3A_57 : f32 to vector<1024x2048xf32>
    %select_n3A_61 = arith.select %eq3A_56, %broadcast_in_dim3A_59, %broadcast_in_dim3A_60 : vector<1024x2048xi1>, vector<1024x2048xf32>
    %reduce_min3A_62 = arith.constant dense<0x7F800000> : vector<1024xf32>
    %reduce_min3A_63 = vector.multi_reduction <minimumf>, %select_n3A_61, %reduce_min3A_62 [1] : vector<1024x2048xf32> to vector<1024xf32>
    %broadcast_in_dim3A_64 = vector.shape_cast %reduce_min3A_63 : vector<1024xf32> to vector<1024x1xf32>
    %convert_element_type3A_65 = arith.fptosi %broadcast_in_dim3A_64 : vector<1024x1xf32> to vector<1024x1xi32>
    %add3A_66 = arith.constant 2048 : i32
    %add3A_67 = vector.broadcast %add3A_66 : i32 to vector<1024x1xi32>
    %add3A_68 = arith.addi %convert_element_type3A_65, %add3A_67 : vector<1024x1xi32>
    %lt3A = arith.cmpf olt, %broadcast_in_dim3A_52, %convert_element_type3A_25 : vector<1024x1xf32>
    %select_n3A_69 = arith.select %lt3A, %convert_element_type3A_54, %convert_element_type3A_25 : vector<1024x1xi1>, vector<1024x1xf32>
    %select_n3A_70 = arith.select %lt3A, %add3A_68, %add3A_36 : vector<1024x1xi1>, vector<1024x1xi32>
    %select_n3A_71 = arith.select %lt3A, %broadcast_in_dim3A_52, %broadcast_in_dim3A_23 : vector<1024x1xi1>, vector<1024x1xf32>
    %get3A_72 = arith.constant 0 : index
    %get3A_73 = arith.constant 4096 : index
    %get3A_74 = vector.load %arg2[%get3A_72, %get3A_73] : memref<32x8192xf32, #tpu.memory_space<vmem>>, vector<32x2048xf32>
    %mul3A_75 = arith.mulf %get3A_74, %get3A_74 : vector<32x2048xf32>
    %reduce_sum3A_76 = arith.constant dense<0.000000e+00> : vector<2048xf32>
    %reduce_sum3A_77 = vector.multi_reduction <add>, %mul3A_75, %reduce_sum3A_76 [0] : vector<32x2048xf32> to vector<2048xf32>
    %broadcast_in_dim3A_78 = vector.shape_cast %reduce_sum3A_77 : vector<2048xf32> to vector<1x2048xf32>
    %dot_general3A_79 = arith.constant dense<0.000000e+00> : vector<1024x2048xf32>
    %dot_general3A_80 = tpu.matmul %mul3A_8, %get3A_74, %dot_general3A_79 {dimension_numbers = #tpu.dot_dimension_numbers<[1], [0], [0], [1], [0, 0, 1, 1], [], []>, transpose_lhs_hint = false} : vector<1024x32xf32>, vector<32x2048xf32>, vector<1024x2048xf32> -> vector<1024x2048xf32>
    %add3A_81 = vector.broadcast %broadcast_in_dim3A : vector<1024x1xf32> to vector<1024x2048xf32>
    %add3A_82 = arith.addf %add3A_81, %dot_general3A_80 : vector<1024x2048xf32>
    %add3A_83 = vector.broadcast %broadcast_in_dim3A_78 : vector<1x2048xf32> to vector<1024x2048xf32>
    %add3A_84 = arith.addf %add3A_82, %add3A_83 : vector<1024x2048xf32>
    %reduce_min3A_85 = arith.constant dense<0x7F800000> : vector<1024xf32>
    %reduce_min3A_86 = vector.multi_reduction <minimumf>, %add3A_84, %reduce_min3A_85 [1] : vector<1024x2048xf32> to vector<1024xf32>
    %broadcast_in_dim3A_87 = vector.shape_cast %reduce_min3A_86 : vector<1024xf32> to vector<1024x1xf32>
    %convert_element_type3A_88 = arith.truncf %broadcast_in_dim3A_87 : vector<1024x1xf32> to vector<1024x1xbf16>
    %convert_element_type3A_89 = arith.extf %convert_element_type3A_88 : vector<1024x1xbf16> to vector<1024x1xf32>
    %eq3A_90 = vector.broadcast %broadcast_in_dim3A_87 : vector<1024x1xf32> to vector<1024x2048xf32>
    %eq3A_91 = arith.cmpf oeq, %add3A_84, %eq3A_90 : vector<1024x2048xf32>
    %jit3A_92 = arith.constant 3.000000e+38 : f32
    %broadcast_in_dim3A_93 = vector.shape_cast %convert_element_type3A : vector<1x2048xf32> to vector<1x2048xf32>
    %broadcast_in_dim3A_94 = vector.broadcast %broadcast_in_dim3A_93 : vector<1x2048xf32> to vector<1024x2048xf32>
    %broadcast_in_dim3A_95 = vector.broadcast %jit3A_92 : f32 to vector<1024x2048xf32>
    %select_n3A_96 = arith.select %eq3A_91, %broadcast_in_dim3A_94, %broadcast_in_dim3A_95 : vector<1024x2048xi1>, vector<1024x2048xf32>
    %reduce_min3A_97 = arith.constant dense<0x7F800000> : vector<1024xf32>
    %reduce_min3A_98 = vector.multi_reduction <minimumf>, %select_n3A_96, %reduce_min3A_97 [1] : vector<1024x2048xf32> to vector<1024xf32>
    %broadcast_in_dim3A_99 = vector.shape_cast %reduce_min3A_98 : vector<1024xf32> to vector<1024x1xf32>
    %convert_element_type3A_100 = arith.fptosi %broadcast_in_dim3A_99 : vector<1024x1xf32> to vector<1024x1xi32>
    %add3A_101 = arith.constant 4096 : i32
    %add3A_102 = vector.broadcast %add3A_101 : i32 to vector<1024x1xi32>
    %add3A_103 = arith.addi %convert_element_type3A_100, %add3A_102 : vector<1024x1xi32>
    %lt3A_104 = arith.cmpf olt, %broadcast_in_dim3A_87, %select_n3A_69 : vector<1024x1xf32>
    %select_n3A_105 = arith.select %lt3A_104, %convert_element_type3A_89, %select_n3A_69 : vector<1024x1xi1>, vector<1024x1xf32>
    %select_n3A_106 = arith.select %lt3A_104, %add3A_103, %select_n3A_70 : vector<1024x1xi1>, vector<1024x1xi32>
    %select_n3A_107 = arith.select %lt3A_104, %broadcast_in_dim3A_87, %select_n3A_71 : vector<1024x1xi1>, vector<1024x1xf32>
    %get3A_108 = arith.constant 0 : index
    %get3A_109 = arith.constant 6144 : index
    %get3A_110 = vector.load %arg2[%get3A_108, %get3A_109] : memref<32x8192xf32, #tpu.memory_space<vmem>>, vector<32x2048xf32>
    %mul3A_111 = arith.mulf %get3A_110, %get3A_110 : vector<32x2048xf32>
    %reduce_sum3A_112 = arith.constant dense<0.000000e+00> : vector<2048xf32>
    %reduce_sum3A_113 = vector.multi_reduction <add>, %mul3A_111, %reduce_sum3A_112 [0] : vector<32x2048xf32> to vector<2048xf32>
    %broadcast_in_dim3A_114 = vector.shape_cast %reduce_sum3A_113 : vector<2048xf32> to vector<1x2048xf32>
    %dot_general3A_115 = arith.constant dense<0.000000e+00> : vector<1024x2048xf32>
    %dot_general3A_116 = tpu.matmul %mul3A_8, %get3A_110, %dot_general3A_115 {dimension_numbers = #tpu.dot_dimension_numbers<[1], [0], [0], [1], [0, 0, 1, 1], [], []>, transpose_lhs_hint = false} : vector<1024x32xf32>, vector<32x2048xf32>, vector<1024x2048xf32> -> vector<1024x2048xf32>
    %add3A_117 = vector.broadcast %broadcast_in_dim3A : vector<1024x1xf32> to vector<1024x2048xf32>
    %add3A_118 = arith.addf %add3A_117, %dot_general3A_116 : vector<1024x2048xf32>
    %add3A_119 = vector.broadcast %broadcast_in_dim3A_114 : vector<1x2048xf32> to vector<1024x2048xf32>
    %add3A_120 = arith.addf %add3A_118, %add3A_119 : vector<1024x2048xf32>
    %reduce_min3A_121 = arith.constant dense<0x7F800000> : vector<1024xf32>
    %reduce_min3A_122 = vector.multi_reduction <minimumf>, %add3A_120, %reduce_min3A_121 [1] : vector<1024x2048xf32> to vector<1024xf32>
    %broadcast_in_dim3A_123 = vector.shape_cast %reduce_min3A_122 : vector<1024xf32> to vector<1024x1xf32>
    %eq3A_124 = vector.broadcast %broadcast_in_dim3A_123 : vector<1024x1xf32> to vector<1024x2048xf32>
    %eq3A_125 = arith.cmpf oeq, %add3A_120, %eq3A_124 : vector<1024x2048xf32>
    %jit3A_126 = arith.constant 3.000000e+38 : f32
    %broadcast_in_dim3A_127 = vector.shape_cast %convert_element_type3A : vector<1x2048xf32> to vector<1x2048xf32>
    %broadcast_in_dim3A_128 = vector.broadcast %broadcast_in_dim3A_127 : vector<1x2048xf32> to vector<1024x2048xf32>
    %broadcast_in_dim3A_129 = vector.broadcast %jit3A_126 : f32 to vector<1024x2048xf32>
    %select_n3A_130 = arith.select %eq3A_125, %broadcast_in_dim3A_128, %broadcast_in_dim3A_129 : vector<1024x2048xi1>, vector<1024x2048xf32>
    %reduce_min3A_131 = arith.constant dense<0x7F800000> : vector<1024xf32>
    %reduce_min3A_132 = vector.multi_reduction <minimumf>, %select_n3A_130, %reduce_min3A_131 [1] : vector<1024x2048xf32> to vector<1024xf32>
    %broadcast_in_dim3A_133 = vector.shape_cast %reduce_min3A_132 : vector<1024xf32> to vector<1024x1xf32>
    %convert_element_type3A_134 = arith.fptosi %broadcast_in_dim3A_133 : vector<1024x1xf32> to vector<1024x1xi32>
    %add3A_135 = arith.constant 6144 : i32
    %add3A_136 = vector.broadcast %add3A_135 : i32 to vector<1024x1xi32>
    %add3A_137 = arith.addi %convert_element_type3A_134, %add3A_136 : vector<1024x1xi32>
    %lt3A_138 = arith.cmpf olt, %broadcast_in_dim3A_123, %select_n3A_105 : vector<1024x1xf32>
    %select_n3A_139 = arith.select %lt3A_138, %add3A_137, %select_n3A_106 : vector<1024x1xi1>, vector<1024x1xi32>
    %select_n3A_140 = arith.select %lt3A_138, %broadcast_in_dim3A_123, %select_n3A_107 : vector<1024x1xi1>, vector<1024x1xf32>
    %swap3A_141 = arith.constant 0 : index
    %swap3A_142 = arith.constant 0 : index
    %swap3A_143 = vector.load %arg4[%swap3A_141, %swap3A_142] : memref<1024x1xi32, #tpu.memory_space<vmem>>, vector<1024x1xi32>
    tpu.vector_store %arg4[%swap3A_141, %swap3A_142], %select_n3A_139 {strides = array<i32>} : memref<1024x1xi32, #tpu.memory_space<vmem>>, vector<1024x1xi32>,
    %eq3A_144 = arith.constant 0 : i32
    %eq3A_145 = arith.cmpi eq, %arg0, %eq3A_144 : i32
    %convert_element_type3A_146 = arith.extui %eq3A_145 : i1 to i32
    %cond3A = arith.constant 0 : i32
    %cond3A_147 = arith.cmpi ne, %convert_element_type3A_146, %cond3A : i32
    scf.if %cond3A_147 {
      %broadcast_in_dim3A_162 = arith.constant 0.000000e+00 : f32
      %broadcast_in_dim3A_163 = vector.broadcast %broadcast_in_dim3A_162 : f32 to vector<1x1xf32>
      %swap3A_164 = arith.constant 0 : index
      %swap3A_165 = arith.constant 0 : index
      %swap3A_166 = vector.load %arg5[%swap3A_164, %swap3A_165] : memref<1x1xf32, #tpu.memory_space<vmem>>, vector<1x1xf32>
      tpu.vector_store %arg5[%swap3A_164, %swap3A_165], %broadcast_in_dim3A_163 {strides = array<i32>} : memref<1x1xf32, #tpu.memory_space<vmem>>, vector<1x1xf32>,
    } else {
    }
    %get3A_148 = arith.constant 0 : index
    %get3A_149 = arith.constant 0 : index
    %get3A_150 = vector.load %arg5[%get3A_148, %get3A_149] : memref<1x1xf32, #tpu.memory_space<vmem>>, vector<1x1xf32>
    %reduce_sum3A_151 = vector.shape_cast %select_n3A_140 : vector<1024x1xf32> to vector<1x1024x1xf32>
    %reduce_sum3A_152 = arith.constant dense<0.000000e+00> : vector<1xf32>
    %reduce_sum3A_153 = vector.multi_reduction <add>, %reduce_sum3A_151, %reduce_sum3A_152 [1, 2] : vector<1x1024x1xf32> to vector<1xf32>
    %reduce_sum3A_154 = vector.shape_cast %reduce_sum3A_153 : vector<1xf32> to vector<1x1x1xf32>
    %reduce_sum3A_155 = vector.extract %reduce_sum3A_154[0, 0, 0] : f32 from vector<1x1x1xf32>
    %mul3A_156 = arith.constant 4.76837158E-6 : f32
    %mul3A_157 = arith.mulf %reduce_sum3A_155, %mul3A_156 : f32
    %reshape3A = vector.broadcast %mul3A_157 : f32 to vector<1x1xf32>
    %add3A_158 = arith.addf %get3A_150, %reshape3A : vector<1x1xf32>
    %swap3A_159 = arith.constant 0 : index
    %swap3A_160 = arith.constant 0 : index
    %swap3A_161 = vector.load %arg5[%swap3A_159, %swap3A_160] : memref<1x1xf32, #tpu.memory_space<vmem>>, vector<1x1xf32>
    tpu.vector_store %arg5[%swap3A_159, %swap3A_160], %add3A_158 {strides = array<i32>} : memref<1x1xf32, #tpu.memory_space<vmem>>, vector<1x1xf32>,
    return
  }
  func.func @transform_0(%arg0: i32) -> (i32, i32) {
    %c0_i32 = arith.constant 0 : i32
    %c0_i32_0 = arith.constant 0 : i32
    return %arg0, %c0_i32 : i32, i32
  }
  func.func @transform_1(%arg0: i32) -> (i32, i32) {
    %c0_i32 = arith.constant 0 : i32
    %c0_i32_0 = arith.constant 0 : i32
    %c0_i32_1 = arith.constant 0 : i32
    return %c0_i32, %c0_i32_0 : i32, i32
  }
  func.func @transform_2(%arg0: i32) -> (i32, i32) {
    %c0_i32 = arith.constant 0 : i32
    %c0_i32_0 = arith.constant 0 : i32
    return %c0_i32, %arg0 : i32, i32
  }
  func.func @transform_3(%arg0: i32) -> (i32, i32) {
    %c0_i32 = arith.constant 0 : i32
    %c0_i32_0 = arith.constant 0 : i32
    return %arg0, %c0_i32 : i32, i32
  }
  func.func @transform_4(%arg0: i32) -> (i32, i32) {
    %c0_i32 = arith.constant 0 : i32
    %c0_i32_0 = arith.constant 0 : i32
    %c0_i32_1 = arith.constant 0 : i32
    return %c0_i32, %c0_i32_0 : i32, i32
  }
  func.func @transform_5(%arg0: i32) -> (i32, i32) {
    %c0_i32 = arith.constant 0 : i32
    %c0_i32_0 = arith.constant 0 : i32
    return %arg0, %c0_i32 : i32, i32
  }
}

</mosaic_0001>

<sc_bundles>
// kernel: kernel.4.cloned.1.call-start
scs
__scs_entry_jumppad:
0x0: {  	(pc) =	sbr.rel $0x88, $3  }
0x1: {  	(tag) =	ssettag $0x0;
	lr =	simm.s32 $0x1  }
0x2: {  	[smem:$0x3F9F] =	sst lr;
	_ =	strace $0xD0000000  }
0x3: {  	_ = 	snop  }
0x4: {  	_ = 	snop  }
0x5: {  	_ = 	snop  }
0x6: {  	_ = 	snop  }
0x7: {  	_ = 	snop  }
__scs_overlays_trampoline_lowered:
0x8: {  	[smem:$0x3FAE] =	sst s0  }
0x9: {  	[smem:$0x3FAF] =	sst s1  }
0xa: {  	[smem:$0x3FB0] =	sst s2  }
0xb: {  	[smem:$0x3FB1] =	sst s3  }
0xc: {  	[smem:$0x3FB2] =	sst s4  }
0xd: {  	[smem:$0x3FB3] =	sst s5  }
0xe: {  	[smem:$0x3FB4] =	sst s6  }
0xf: {  	[smem:$0x3FB5] =	sst s7  }
0x10: {  	[smem:$0x3FB6] =	sst s8  }
0x11: {  	[smem:$0x3FB7] =	sst s9;
	s0 =	simm.s32 @!p0 $0x0  }
0x12: {  	s1 =	sld [smem:$0x3F9D];
	s0 =	simm.s32 @p0 $0x1  }
0x13: {  	[smem:$0x3FB8] =	sst s0;
	s0 =	simm.s32 @!p1 $0x0  }
0x14: {  	s2 =	sld [smem:$0x3F9C];
	s0 =	simm.s32 @p1 $0x1  }
0x15: {  	[smem:$0x3FB9] =	sst s0;
	s0 =	simm.s32 @!p2 $0x0  }
0x16: {  	s3 =	sld [smem:$0x3FDB];
	s0 =	simm.s32 @p2 $0x1  }
0x17: {  	s4 =	simm.s32 $0x1BF5;
	[smem:$0x3FBB] =	sst s0  }
0x18: {  	s0 =	sld [smem:$0x3F9E];
	_ =	swait.ge [sflag:s4], $0x0  }
0x19: {  	s7 =	sld [smem:$0x3F9F]  }
0x1a: {  	s8 =	sadd.s32 $0xFFFFE003, lr  }
0x1b: {  	s9 =	sadd.s32 $0xFFFFFEF7, lr;
	s5 =	simm.s32 $0xFFFFFFFF;
	p2 =	slt.u32 s8, $0xFFFFF086  }
0x1c: {  	p1 =	slt.u32 s9, $0xF7A;
	s5 =	simm.s32 @!p2 $0x0  }
0x1d: {  	s5 =	simm.s32 @p1 $0x1;
	p0 =	seq.s32 s7, s2  }
0x1e: {  	s7 =	smul.u32 @!p0 $0xF7A, s2;
	p2 =	seq.s32 @!p0 s5, $0x0  }
0x1f: {  	s9 =	smul.u32 $0xF7A, s1;
	s8 =	simm.s32 @!p0 $0x1BF5;
	p2 =	por !p2, p0  }
0x20: {  	[sflag:s8] =	ssyncset.s32 @!p0 $0xFFFFF086;
	s6 =	sadd.s32 @!p0 s3, s7;
	s7 =	simm.s32 @!p0 $0x108  }
0x21: {  	s3 =	sadd.s32 s3, s9;
	s6 =	sadd.s32 @!p0 $0x88, s6;
	s7 =	simm.s32 @p2 $0x1082  }
0x22: {  	[simem:s7], [sflag:s8] =	dma.local @!p0 [hbm:s6], $0xF7A  }
0x23: {  	s9 =	sor.u32 $0xD0000000, s2;
	s6 =	simm.s32 $0x108;
	_ =	swait.ge @!p0 [sflag:s8], $0x0  }
0x24: {  	s3 =	sadd.s32 $0x88, s3;
	s6 =	simm.s32 @!p1 $0x1082;
	[sflag:s4] =	ssyncset.s32 $0xFFFFF086  }
0x25: {  	[simem:s6], [sflag:s4] =	dma.local [hbm:s3], $0xF7A  }
0x26: {  	[smem:$0x3F9F] =	sst s1;
	(tag) =	ssettag s2;
	_ =	strace s9  }
0x27: {  	s1 =	sld [smem:$0x3FAF]  }
0x28: {  	s2 =	sld [smem:$0x3FB0]  }
0x29: {  	s4 =	sld [smem:$0x3FB2]  }
0x2a: {  	p0 =	seq.s32 s5, $0x0;
	s5 =	sld [smem:$0x3FB3]  }
0x2b: {  	s6 =	sld [smem:$0x3FB4]  }
0x2c: {  	s7 =	sld [smem:$0x3FB5]  }
0x2d: {  	s3 =	simm.s32 $0x108;
	s8 =	sld [smem:$0x3FB6]  }
0x2e: {  	s3 =	simm.s32 @!p0 $0x1082;
	s9 =	sld [smem:$0x3FB7]  }
0x2f: {  	lr =	sadd.s32 s0, s3;
	s0 =	sld [smem:$0x3FAE]  }
0x30: {  	s3 =	sld [smem:$0x3FB1]  }
0x31: {  	[smem:$0x3FBA] =	sst s10  }
0x32: {  	s10 =	sld [smem:$0x3FB8];
	_ =	sdelay $0x3  }
0x33: {  	p0 =	seq.s32 s10, $0x1;
	s10 =	sld [smem:$0x3FBA];
	_ =	sdelay $0x3  }
0x34: {  	[smem:$0x3FBA] =	sst s10  }
0x35: {  	s10 =	sld [smem:$0x3FB9];
	_ =	sdelay $0x3  }
0x36: {  	p1 =	seq.s32 s10, $0x1;
	s10 =	sld [smem:$0x3FBA];
	_ =	sdelay $0x3  }
0x37: {  	[smem:$0x3FBA] =	sst s10  }
0x38: {  	s10 =	sld [smem:$0x3FBB]  }
0x39: {  	_ = 	snop;
	(pc) =	sbr.ind lr, $3  }
0x3a: {  	_ = 	snop  }
0x3b: {  	_ = 	snop  }
0x3c: {  	p2 =	seq.s32 s10, $0x1;
	s10 =	sld [smem:$0x3FBA]  }
0x3d: {  	_ =	shalt  }
0x3e: {  	_ =	shalt  }
0x3f: {  	_ =	shalt  }
0x40: {  	_ =	shalt  }
0x41: {  	_ =	shalt  }
0x42: {  	_ =	shalt  }
0x43: {  	_ =	shalt  }
0x44: {  	_ =	shalt  }
0x45: {  	_ =	shalt  }
0x46: {  	_ =	shalt  }
0x47: {  	_ =	shalt  }
0x48: {  	_ =	shalt  }
0x49: {  	_ =	shalt  }
0x4a: {  	_ =	shalt  }
0x4b: {  	_ =	shalt  }
0x4c: {  	_ =	shalt  }
0x4d: {  	_ =	shalt  }
0x4e: {  	_ =	shalt  }
0x4f: {  	_ =	shalt  }
0x50: {  	_ =	shalt  }
0x51: {  	_ =	shalt  }
0x52: {  	_ =	shalt  }
0x53: {  	_ =	shalt  }
0x54: {  	_ =	shalt  }
0x55: {  	_ =	shalt  }
0x56: {  	_ =	shalt  }
0x57: {  	_ =	shalt  }
0x58: {  	_ =	shalt  }
0x59: {  	_ =	shalt  }
0x5a: {  	_ =	shalt  }
0x5b: {  	_ =	shalt  }
0x5c: {  	_ =	shalt  }
0x5d: {  	_ =	shalt  }
0x5e: {  	_ =	shalt  }
0x5f: {  	_ =	shalt  }
0x60: {  	_ =	shalt  }
0x61: {  	_ =	shalt  }
0x62: {  	_ =	shalt  }
0x63: {  	_ =	shalt  }
0x64: {  	_ =	shalt  }
0x65: {  	_ =	shalt  }
0x66: {  	_ =	shalt  }
0x67: {  	_ =	shalt  }
0x68: {  	_ =	shalt  }
0x69: {  	_ =	shalt  }
0x6a: {  	_ =	shalt  }
0x6b: {  	_ =	shalt  }
0x6c: {  	_ =	shalt  }
0x6d: {  	_ =	shalt  }
0x6e: {  	_ =	shalt  }
0x6f: {  	_ =	shalt  }
0x70: {  	_ =	shalt  }
0x71: {  	_ =	shalt  }
0x72: {  	_ =	shalt  }
0x73: {  	_ =	shalt  }
0x74: {  	_ =	shalt  }
0x75: {  	_ =	shalt  }
0x76: {  	_ =	shalt  }
0x77: {  	_ =	shalt  }
0x78: {  	_ =	shalt  }
0x79: {  	_ =	shalt  }
0x7a: {  	_ =	shalt  }
0x7b: {  	_ =	shalt  }
0x7c: {  	_ =	shalt  }
0x7d: {  	_ =	shalt  }
0x7e: {  	_ =	shalt  }
0x7f: {  	_ =	shalt  }
0x80: {  	_ =	shalt  }
0x81: {  	_ =	shalt  }
0x82: {  	_ =	shalt  }
0x83: {  	_ =	shalt  }
0x84: {  	_ =	shalt  }
0x85: {  	_ =	shalt  }
0x86: {  	_ =	shalt  }
0x87: {  	_ =	shalt  }
.Lfunc_end0:
.L_simem_size_0:
called_computation_lowered:
.L_overlay_start_0:
0x88: {  	s2 =	sld [smem:$0x3FD9]  }
0x89: {  	s3 =	sld [smem:$0x3FFE];
	_ =	sdelay $0x1  }
0x8a: {  	s1 =	srdreg.scid  }
0x8b: {  	s0 =	sand.u32 $0x1, s1  }
0x8c: {  	s14 =	sshll.u32 s0, $0xA;
	s2 =	sadd.s32 s3, s2  }
0x8d: {  	s2 =	sadd.s32 s2, s14  }
0x8e: {  	[smem:$0x3FC6] =	sst s2  }
0x8f: {  	_ = 	snop  }
0x90: {  	s2 =	sld [smem:$0x3FD0];
	_ =	sdelay $0x2  }
0x91: {  	s15 =	simm.s32 $0xA;
	s4 =	simm.s32 $0x10  }
0x92: {  	[smem:s4], [sflag:s15] =	dma.local [hbm:s2], $0x1  }
0x93: {  	_ =	swait.eq [sflag:s15], $0x1  }
0x94: {  	[sflag:s15] =	ssyncset.done $0x0  }
0x95: {  	[sflag:s15] =	ssyncadd.s32 $0xFFFFFFFF  }
0x96: {  	s16 =	sld [smem:$0x10];
	(tm) =	ssettm $0x1  }
0x97: {  	s17 =	sld [smem:$0x3FFB];
	_ =	sdelay $0x3  }
0x98: {  	_ =	strace s17  }
0x99: {  	s3 =	sld [smem:$0x3FFC];
	_ =	sdelay $0x3  }
0x9a: {  	_ =	strace s3  }
0x9b: {  	s3 =	sld [smem:$0x3FFD];
	_ =	sdelay $0x3  }
0x9c: {  	_ =	strace s3  }
0x9d: {  	_ =	strace $0x8FFFFFFF  }
0x9e: {  	s18 =	sld [smem:$0x3FDB];
	_ =	sdelay $0x1  }
0x9f: {  	s19 =	simm.s32 $_scs_section_size  }
0xa0: {  	s5 =	simm.s32 $_size__tile_overlayer_lowered;
	s6 =	simm.s32 $_tile_overlayer_lowered  }
0xa1: {  	s22 =	simm.s32 $0x1BFF;
	s21 =	sshll.u32 s6, $0x1;
	s3 =	sadd.s32 s19, s18  }
0xa2: {  	s7 =	simm.s32 $0x0;
	s20 =	sshll.u32 s5, $0x1;
	s5 =	sadd.s32 s21, s3  }
0xa3: {  	[timem:s7], [sflag:s22] =	dma.local [hbm:s5], s20  }
0xa4: {  	_ =	swait.ge [sflag:s22], s20  }
0xa5: {  	s4 =	ssub.s32 $0x0, s20;
	[sflag:s22] =	ssyncset.done $0x0  }
0xa6: {  	[sflag:s22] =	ssyncadd.s32 s4;
	_ =	sdelay $0x1  }
0xa7: {  	s23 =	simm.s32 $0x1B8B  }
0xa8: {  	_ =	swait.ge [sflag:s23], $0x1  }
0xa9: {  	[sflag:s23] =	ssyncset.done $0x0  }
0xaa: {  	s25 =	simm.s32 $0x1B8E;
	s24 =	sld [smem:$0x3FFE];
	[sflag:s23] =	ssyncadd.s32 $0xFFFFFFFF  }
0xab: {  	s26 =	simm.s32 $execute0_lowered;
	[smem:$0x3FD2] =	sst s25  }
0xac: {  	s5 =	sshll.u32 s26, $0x1;
	_ =	strace $0x80000046;
	[dreg:$0x1] =	wrdreg $0xFFFFFFFF  }
0xad: {  	s28 =	simm.s32 $_size_execute0_lowered;
	s3 =	sadd.s32 s3, s5;
	[dreg:$0x0] =	wrdreg $0x0  }
0xae: {  	s5 =	sshll.u32 s28, $0x1;
	[dreg:$0x2] =	wrdreg s3  }
0xaf: {  	[dreg:$0x3] =	wrdreg s5  }
0xb0: {  	[dreg:$0x4] =	wrdreg $0xC0  }
0xb1: {  	_ =	task [dreg:s7], $0x5FFFF  }
0xb2: {  	[dreg:$0x1] =	wrdreg $0xFFFFFFFF  }
0xb3: {  	[dreg:$0x0] =	wrdreg $0x60  }
0xb4: {  	[dreg:$0x2] =	wrdreg s16  }
0xb5: {  	[dreg:$0x3] =	wrdreg s24  }
0xb6: {  	[dreg:$0x4] =	wrdreg $0x9  }
0xb7: {  	_ =	task.clear_ibuf [dreg:s7], $0x5FFFF;
	_ =	strace $0x90000046  }
0xb8: {  	s29 =	simm.s32 $0x9;
	_ =	strace $0x80000048  }
0xb9: {  	_ =	swait.ge [sflag:s29], $0x1  }
0xba: {  	[sflag:s29] =	ssyncadd.s32 $0xFFFFFFFF  }
0xbb: {  	_ =	strace $0x90000048  }
0xbc: {  	_ =	sfence  }
0xbd: {  	s30 =	sld [smem:$0x0];
	_ =	sdelay $0x2  }
0xbe: {  	s31 =	sshll.u32 s1, $0xD;
	s1 =	sshrl.u32 s1, $0x2  }
0xbf: {  	s3 =	sand.u32 $0x4000, s31;
	s1 =	sadd.s32 s1, s30  }
0xc0: {  	s0 =	sor.u32 s3, s0;
	s1 =	sshll.u32 s1, $0x11  }
0xc1: {  	s0 =	sor.u32 s1, s0  }
0xc2: {  	s0 =	sadd.s32 $0x8F2B, s0  }
0xc3: {  	[sflag:s0] =	ssyncadd.remote.s32 $0x1  }
0xc4: {  	_ =	sfence.sel $0xFFFF  }
0xc5: {  	[dreg:$0x0] =	wrdreg $0xFFFFFFFF;
	(pc) =	sbr.abs _section_cstart, $3  }
0xc6: {  	[dreg:$0x1] =	wrdreg $0xFFFFFFFF  }
0xc7: {  	_ =	task.clear_ibuf [dreg:s7], $0x2FFFF;
	_ =	strace $0x9FFFFFFF  }
0xc8: {  	(tm) =	ssettm $0x7FFFFFFF  }
0xc9: {  	_ =	shalt  }
tec
execute0_lowered:
.L_overlay_start_1:
0x0: {  	(tag) =	ssettag $0x1  }
0x1: {  	s1 =	srdreg.scid  }
0x2: {  	s0 =	stileid.u32;
	s6 =	sand.u32 $0x1, s1  }
0x3: {  	s2 =	rddreg [dreg:$0x0];
	s30 =	sshll.u32 s0, $0x9;
	s3 =	sshll.u32 s6, $0x8  }
0x4: {  	s8 =	rddreg [dreg:$0x1];
	s7 =	simm.s32 $0x1;
	s9 =	sor.u32 s3, s30  }
0x5: {  	s1 =	rddreg [dreg:$0x2];
	s3 =	simm.s32 $0x0;
	s4 =	sshrl.u32 s9, $0x3  }
0x6: {  	s10 =	ssub.s32 $0x2, s6;
	[smem:$0x7FF] =	sst s3;
	s4 =	sadd.s32 s4, s8  }
0x7: {  	_ =	strace $0x80000047;
	s5 =	sadd.s32 $0x600, s4;
	s4 =	simm.s32 $0x2  }
0x8: {  	[tilespmem:s3], [sflag:$0x2] =	stream.linear.gather [hbm4b:s5+s3], $0x100, $0x38;
	[tilespmem:$0x2100] =	vst v63  }
0x9: {  	s6 =	simm.s32 $0x100;
	s11 =	sshrl.u32 s10, $0x1;
	_ =	swait.ge [sflag:s4], $0x100  }
0xa: {  	s9 =	sshll.u32 s9, $0x2;
	s31 =	ssub.s32 s10, s11;
	[sflag:s4] =	ssyncset.done $0x0  }
0xb: {  	s8 =	sadd.s32 s9, s8;
	s9 =	smax.u32 s31, $0x1;
	[sflag:s4] =	ssyncadd.s32 $0xFFFFFF00  }
0xc: {  	[tilespmem:s6], [sflag:$0x1] =	stream.indirect.gather [hbm4b:s2+s6], $0x20, s3, s6, $0xb8;
	[tilespmem:$0x2100] =	vst v63  }
0xd: {  	p0 =	sne.s32 s9, $0x1;
	_ =	swait.ge [sflag:s7], $0x2000  }
.Ltmp0:
0xe: {  	[sflag:s7] =	ssyncset.done $0x0;
	(pc) =	sbr.rel @!p0 .LBB2_2-.Ltmp0, $4  }
0xf: {  	s8 =	sadd.s32 $0xA00, s8;
	[sflag:s7] =	ssyncadd.s32 $0xFFFFE000  }
0x10: {  	[hbm4b:s8+s3] =	stream.linear.scatter [tilespmem:s6], [sflag:$0x2], $0x2000, $0x38;
	[tilespmem:$0x2100] =	vst v63  }
0x11: {  	_ =	swait.ge [sflag:s4], $0x2000  }
0x12: {  	s9 =	sadd.s32 $0xFFFFFFFF, s9;
	[sflag:s4] =	ssyncset.done $0x0  }
.LBB2_1:
0x13: {  	p0 =	sne.s32 s9, $0x1;
	s9 =	sadd.s32 $0xFFFFFFFF, s9;
	[sflag:s4] =	ssyncadd.s32 $0xFFFFE000  }
0x14: {  	[tilespmem:s3], [sflag:$0x2] =	stream.linear.gather [hbm4b:s5+s3], $0x100, $0x38;
	[tilespmem:$0x2100] =	vst v63  }
0x15: {  	_ =	swait.ge [sflag:s4], $0x100  }
0x16: {  	[sflag:s4] =	ssyncset.done $0x0  }
0x17: {  	[sflag:s4] =	ssyncadd.s32 $0xFFFFFF00  }
0x18: {  	[tilespmem:s6], [sflag:$0x1] =	stream.indirect.gather [hbm4b:s2+s6], $0x20, s3, s6, $0xb8;
	[tilespmem:$0x2100] =	vst v63  }
0x19: {  	_ =	swait.ge [sflag:s7], $0x2000  }
.Ltmp1:
0x1a: {  	[sflag:s7] =	ssyncset.done $0x0;
	(pc) =	sbr.rel @p0 .LBB2_1-.Ltmp1, $4  }
0x1b: {  	[sflag:s7] =	ssyncadd.s32 $0xFFFFE000  }
0x1c: {  	[hbm4b:s8+s3] =	stream.linear.scatter [tilespmem:s6], [sflag:$0x2], $0x2000, $0x38;
	[tilespmem:$0x2100] =	vst v63  }
0x1d: {  	_ =	swait.ge [sflag:s4], $0x2000  }
0x1e: {  	[sflag:s4] =	ssyncset.done $0x0  }
.LBB2_2:
0x1f: {  	[sflag:s4] =	ssyncadd.s32 $0xFFFFE000  }
0x20: {  	_ =	sfence.sel $0x180000  }
0x21: {  	[bflag:$0x0] =	sbarrier.arrive $0xFFFF  }
0x22: {  	p0 =	sne.s32 s0, $0x0;
	_ =	strace $0x90000047  }
0x23: {  	s0 =	sadd.s32 @!p0 $0x100000, s1;
	[bflag:$0x2] =	sbarrier.arrive $0xFFFF  }
0x24: {  	[sflag:s0] =	ssyncadd.tile.s32 @!p0 $0x1;
	_ =	shalt  }
.Lfunc_end2:
_tile_overlayer_lowered:
.L_overlay_start_2:
0x25: {  	(tag) =	ssettag $0x2  }
0x26: {  	s0 =	rddreg [dreg:$0x0];
	s2 =	stileid.u32  }
0x27: {  	s1 =	rddreg [dreg:$0x1];
	p0 =	sne.s32 s2, $0x0  }
0x28: {  	s3 =	rddreg [dreg:$0x2];
	[bflag:$0x3] =	sbarrier.arrive $0xFFFF;
	s2 =	simm.s32 @!p0 $0x1C02  }
0x29: {  	[timem:s3], [sflag:s2] =	dma.local @!p0 [hbm:s0], s1  }
0x2a: {  	s0 =	simm.s32 @!p0 $0x2  }
0x2b: {  	_ =	swait.ge @!p0 [sflag:s0], s1  }
0x2c: {  	s1 =	ssub.s32 @!p0 $0x0, s1;
	[sflag:s0] =	ssyncset.done @!p0 $0x0  }
0x2d: {  	[sflag:s0] =	ssyncadd.s32 @!p0 s1  }
0x2e: {  	[bflag:$0x3] =	sbarrier.arrive $0xFFFF  }
0x2f: {  	_ =	shalt  }

</sc_bundles>
